<compile_context>
chip_gen: v7x
topology: tpu7x:2x2x1
jax: 0.10.2.dev20260603
libtpu: 0.0.44.dev20260713+nightly
codegen_flags: <defaults>
</compile_context>

<pallas_src>
import functools

import jax
import jax.numpy as jnp
from jax import lax
from jax.experimental import pallas as pl
from jax.experimental.pallas import tpu as pltpu
from jax.experimental.pallas import tpu_sc as plsc

_TIME = 288
_WEEK = 8
_F = 64
_NB = 2048
_L = 16
_NC = 2


def _sc_tr_body(T, NBLK, x_hbm, pk_hbm):
    wid = lax.axis_index("s") * _NC + lax.axis_index("c")
    nb = wid & 15
    bh = wid >> 4
    n0 = nb * NBLK
    B = x_hbm.shape[0]
    rows = NBLK * T
    half = B // 2

    GW = 3 * _L // T
    iota = lax.broadcasted_iota(jnp.int32, (_L,), 0)

    def inner(xtile, pktile):
        def per_b(b, _):
            pltpu.sync_copy(x_hbm.at[b, :, pl.ds(n0, NBLK)], xtile)

            def per_chunk(m, _):
                for q in range(3):
                    i = iota + q * _L
                    n_off = (i * 21846) >> 18
                    t = i - n_off * T
                    n = n_off + m * GW
                    v = plsc.load_gather(xtile, [t, n])
                    pktile[pl.ds(m * 3 * _L + q * _L, _L)] = v
                return 0

            lax.fori_loop(0, rows // (3 * _L), per_chunk, 0)
            pltpu.sync_copy(pktile, pk_hbm.at[b, pl.ds(n0 * T, rows)])
            return 0

        lax.fori_loop(bh * half, (bh + 1) * half, per_b, 0)

    pl.run_scoped(
        inner,
        pltpu.VMEM((T, NBLK), jnp.float32),
        pltpu.VMEM((NBLK * T,), jnp.float32),
    )


def _tc_body(pk_ref, tdt_ref, twt_ref, out_ref):
    p = pk_ref[0].astype(jnp.int32)
    didx = p >> 3
    widx = p & 7
    J = p.shape[1]
    kd = lax.broadcasted_iota(jnp.int32, (_TIME, J), 0)
    kw = lax.broadcasted_iota(jnp.int32, (_WEEK, J), 0)
    ohd = (didx == kd).astype(jnp.bfloat16)
    ohw = (widx == kw).astype(jnp.bfloat16)
    acc = lax.dot_general(
        tdt_ref[...], ohd, (((1,), (0,)), ((), ())),
        preferred_element_type=jnp.float32)
    acc += lax.dot_general(
        twt_ref[...], ohw, (((1,), (0,)), ((), ())),
        preferred_element_type=jnp.float32)
    out_ref[0] = acc


@jax.jit
def kernel(x, time_day, time_week):
    B, T, N, C = x.shape
    F = time_day.shape[1]
    pk_nat = jnp.floor(x[..., 1] * _TIME) * 8.0 + jnp.floor(x[..., 2])
    NBLK = N // 16
    sc_tr = functools.partial(
        pl.kernel,
        mesh=plsc.VectorSubcoreMesh(core_axis_name="c", subcore_axis_name="s"),
        out_type=jax.ShapeDtypeStruct((B, N * T), jnp.float32),
        compiler_params=pltpu.CompilerParams(needs_layout_passes=False),
    )(functools.partial(_sc_tr_body, T, NBLK))
    pkT = sc_tr(pk_nat).reshape(B, 1, N * T)
    tdt = time_day.T.astype(jnp.bfloat16)
    twt = jnp.pad(time_week, ((0, _WEEK - time_week.shape[0]), (0, 0)))
    twt = twt.T.astype(jnp.bfloat16)

    J = _NB * T
    out_flat = pl.pallas_call(
        _tc_body,
        grid=(B, N // _NB),
        in_specs=[
            pl.BlockSpec((1, 1, J), lambda b, n: (b, 0, n)),
            pl.BlockSpec((F, _TIME), lambda b, n: (0, 0)),
            pl.BlockSpec((F, _WEEK), lambda b, n: (0, 0)),
        ],
        out_specs=pl.BlockSpec((1, F, J), lambda b, n: (b, 0, n)),
        out_shape=jax.ShapeDtypeStruct((B, F, N * T), jnp.float32),
        compiler_params=pltpu.CompilerParams(
            dimension_semantics=("parallel", "parallel")),
    )(pkT, tdt, twt)
    return out_flat.reshape(B, F, N, T)

# --- scband reference (transcript-rebuilt; emitter-appended) ---
"""Pipeline reference for scband-temporal-embedding-12206297055750 (READ-ONLY COPY).

The authoritative reference and input builder live on the scoring server;
editing this copy changes nothing except your own understanding.
"""

import jax, jax.numpy as jnp
import numpy as np

TIME = 288
FEATURES = 64
B, T, N, C = 32, 12, 2048, 3


def setup_inputs(seed: int = 0) -> dict:
    key = jax.random.key(seed)
    k1, k2, k3 = jax.random.split(key, 3)
    # x[..., 1] in [0, 1): time-of-day fraction -> day index = floor(frac * TIME) in [0, TIME)
    # x[..., 2] in [0, 1): cast to int32 gives day-of-week index 0 (valid, in [0, 7))
    x = jax.random.uniform(k1, (B, T, N, C), dtype=jnp.float32)
    glorot = jax.nn.initializers.glorot_uniform()
    time_day = glorot(k2, (TIME, FEATURES)).astype(jnp.float32)
    time_week = glorot(k3, (7, FEATURES)).astype(jnp.float32)
    return {"x": x, "time_day": time_day, "time_week": time_week}


def reference(x, time_day, time_week):
    # x: [B, T, N, C]
    day_emb = x[..., 1]                                   # [B, T, N]
    day_indices = jnp.asarray(day_emb * TIME, dtype=jnp.int32)
    td = jnp.take(time_day, day_indices, axis=0)          # [B, T, N, F] gather
    td = jnp.transpose(td, (0, 2, 1, 3))                  # [B, N, T, F] (torch .transpose(1,2))
    week_emb = x[..., 2]
    week_indices = jnp.asarray(week_emb, dtype=jnp.int32)
    tw = jnp.take(time_week, week_indices, axis=0)        # [B, T, N, F] gather
    tw = jnp.transpose(tw, (0, 2, 1, 3))                  # [B, N, T, F]
    tem_emb = td + tw                                     # [B, N, T, F]
    tem_emb = jnp.transpose(tem_emb, (0, 3, 1, 2))        # [B, F, N, T]
    return tem_emb

if __name__ == "__main__":
    import jax
    _d = setup_inputs()
    print(jax.jit(kernel)(*tuple(_d.values())))

</pallas_src>

<mosaic_0001>
#map = affine_map<(d0, d1) -> (0, 0, 0)>
#map1 = affine_map<(d0, d1) -> (0, 0)>
module attributes {stable_mosaic.version = 14 : i64} {
  func.func @_sc_tr_body(%arg0: i32, %arg1: i32, %arg2: memref<32x12x2048xf32, #tpu.memory_space<hbm>>, %arg3: memref<32x24576xf32, #tpu.memory_space<hbm>>) attributes {dimension_semantics = [#tpu.dimension_semantics<core_parallel>, #tpu.dimension_semantics<subcore_parallel>], iteration_bounds = array<i64: 2, 16>, scalar_prefetch = 0 : i64, scratch_operands = 0 : i64, tpu.core_type = #tpu.core_type<sc_vector_subcore>, window_params = [{transform_indices = #map}, {transform_indices = #map1}]} {
    %mul3A = arith.constant 2 : i32
    %mul3A_0 = arith.muli %arg1, %mul3A : i32
    %add3A = arith.addi %mul3A_0, %arg0 : i32
    %and3A = arith.constant 15 : i32
    %and3A_1 = arith.andi %add3A, %and3A : i32
    %shift_right_arithmetic3A = arith.constant 4 : i32
    %shift_right_arithmetic3A_2 = arith.shrsi %add3A, %shift_right_arithmetic3A : i32
    %mul3A_3 = arith.constant 128 : i32
    %mul3A_4 = arith.muli %and3A_1, %mul3A_3 : i32
    %iota3A = tpu.iota {dimensions = array<i32: 0>} : vector<16xi32>
    "tpu.region"() ({
      %run_scoped3A = memref.alloca() : memref<12x128xf32, #tpu.memory_space<vmem>>
      %run_scoped3A_5 = memref.alloca() : memref<1536xf32, #tpu.memory_space<vmem>>
      %mul3A_6 = arith.constant 16 : i32
      %mul3A_7 = arith.muli %shift_right_arithmetic3A_2, %mul3A_6 : i32
      %add3A_8 = arith.constant 1 : i32
      %add3A_9 = arith.addi %shift_right_arithmetic3A_2, %add3A_8 : i32
      %mul3A_10 = arith.constant 16 : i32
      %mul3A_11 = arith.muli %add3A_9, %mul3A_10 : i32
      %while3A = arith.constant 0 : i32
      %while3A_12 = arith.subi %mul3A_11, %mul3A_7 : i32
      %while3A_13 = arith.addi %mul3A_7, %while3A_12 : i32
      %while3A_14 = arith.constant 1 : i32
      %while3A_15 = arith.divsi %while3A_12, %while3A_14 : i32
      %while3A_16 = arith.muli %while3A_15, %while3A_14 : i32
      %while3A_17 = arith.addi %mul3A_7, %while3A_16 : i32
      %while3A_18 = arith.constant 1 : i32
      %while3A_19 = scf.for %while3A_22 = %mul3A_7 to %while3A_17 step %while3A_18 iter_args(%while3A_23 = %while3A) -> (i32)  : i32 {
        "tpu.region"() ({
          %run_scoped3A_33 = tpu.sem_alloc : memref<!tpu.dma_semaphore, #tpu.memory_space<semaphore_mem>>
          %dma_start3A = arith.constant 0 : i32
          %dma_start3A_34 = tpu.memref_slice %arg2[%while3A_22, %dma_start3A, %mul3A_4] : memref<32x12x2048xf32, #tpu.memory_space<hbm>> -> memref<1x12x128xf32, #tpu.memory_space<hbm>>
          %dma_start3A_35 = tpu.memref_squeeze %dma_start3A_34 : memref<1x12x128xf32, #tpu.memory_space<hbm>> -> memref<12x128xf32, #tpu.memory_space<hbm>>
          %dma_start3A_36 = arith.constant 0 : i32
          %dma_start3A_37 = tpu.memref_slice %arg2[%while3A_22, %dma_start3A_36, %mul3A_4] : memref<32x12x2048xf32, #tpu.memory_space<hbm>> -> memref<1x12x128xf32, #tpu.memory_space<hbm>>
          %dma_start3A_38 = tpu.memref_squeeze %dma_start3A_37 : memref<1x12x128xf32, #tpu.memory_space<hbm>> -> memref<12x128xf32, #tpu.memory_space<hbm>>
          tpu.enqueue_dma source(%dma_start3A_38 : memref<12x128xf32, #tpu.memory_space<hbm>>) target(%run_scoped3A : memref<12x128xf32, #tpu.memory_space<vmem>>) target_semaphore(%run_scoped3A_33 : memref<!tpu.dma_semaphore, #tpu.memory_space<semaphore_mem>>)
          %dma_wait3A = arith.constant 0 : i32
          %dma_wait3A_39 = tpu.memref_slice %arg2[%while3A_22, %dma_wait3A, %mul3A_4] : memref<32x12x2048xf32, #tpu.memory_space<hbm>> -> memref<1x12x128xf32, #tpu.memory_space<hbm>>
          %dma_wait3A_40 = tpu.memref_squeeze %dma_wait3A_39 : memref<1x12x128xf32, #tpu.memory_space<hbm>> -> memref<12x128xf32, #tpu.memory_space<hbm>>
          %dma_wait3A_41 = arith.constant 0 : i32
          %dma_wait3A_42 = tpu.memref_slice %arg2[%while3A_22, %dma_wait3A_41, %mul3A_4] : memref<32x12x2048xf32, #tpu.memory_space<hbm>> -> memref<1x12x128xf32, #tpu.memory_space<hbm>>
          %dma_wait3A_43 = tpu.memref_squeeze %dma_wait3A_42 : memref<1x12x128xf32, #tpu.memory_space<hbm>> -> memref<12x128xf32, #tpu.memory_space<hbm>>
          tpu.wait_dma2 semaphore(%run_scoped3A_33 : memref<!tpu.dma_semaphore, #tpu.memory_space<semaphore_mem>>) src(%dma_wait3A_43 : memref<12x128xf32, #tpu.memory_space<hbm>>) dst(%run_scoped3A : memref<12x128xf32, #tpu.memory_space<vmem>>)
          tpu.yield
        }) : () -> ()
        %scan3A = arith.constant 0 : i32
        %scan3A_24 = arith.constant 0 : i32
        %scan3A_25 = arith.constant 32 : i32
        %scan3A_26 = arith.addi %scan3A_24, %scan3A_25 : i32
        %scan3A_27 = arith.constant 1 : i32
        %scan3A_28 = scf.for %scan3A_33 = %scan3A_24 to %scan3A_26 step %scan3A_27 iter_args(%scan3A_34 = %scan3A) -> (i32)  : i32 {
          %add3A_35 = arith.constant 0 : i32
          %add3A_36 = vector.broadcast %add3A_35 : i32 to vector<16xi32>
          %add3A_37 = arith.addi %iota3A, %add3A_36 : vector<16xi32>
          %mul3A_38 = arith.constant 21846 : i32
          %mul3A_39 = vector.broadcast %mul3A_38 : i32 to vector<16xi32>
          %mul3A_40 = arith.muli %add3A_37, %mul3A_39 : vector<16xi32>
          %shift_right_arithmetic3A_41 = arith.constant 18 : i32
          %shift_right_arithmetic3A_42 = vector.broadcast %shift_right_arithmetic3A_41 : i32 to vector<16xi32>
          %shift_right_arithmetic3A_43 = arith.shrsi %mul3A_40, %shift_right_arithmetic3A_42 : vector<16xi32>
          %mul3A_44 = arith.constant 12 : i32
          %mul3A_45 = vector.broadcast %mul3A_44 : i32 to vector<16xi32>
          %mul3A_46 = arith.muli %shift_right_arithmetic3A_43, %mul3A_45 : vector<16xi32>
          %sub3A = arith.subi %add3A_37, %mul3A_46 : vector<16xi32>
          %mul3A_47 = arith.constant 4 : i32
          %mul3A_48 = arith.muli %scan3A_33, %mul3A_47 : i32
          %add3A_49 = vector.broadcast %mul3A_48 : i32 to vector<16xi32>
          %add3A_50 = arith.addi %shift_right_arithmetic3A_43, %add3A_49 : vector<16xi32>
          %gather3A = tpu.vector_load_idx %run_scoped3A[%sub3A, %add3A_50] : memref<12x128xf32, #tpu.memory_space<vmem>>[vector<16xi32>, vector<16xi32>], vector<16xf32>,
          %mul3A_51 = arith.constant 3 : i32
          %mul3A_52 = arith.muli %scan3A_33, %mul3A_51 : i32
          %mul3A_53 = arith.constant 16 : i32
          %mul3A_54 = arith.muli %mul3A_52, %mul3A_53 : i32
          %add3A_55 = arith.constant 0 : i32
          %add3A_56 = arith.addi %mul3A_54, %add3A_55 : i32
          %swap3A = arith.index_cast %add3A_56 : i32 to index
          %swap3A_57 = tpu.vector_load %run_scoped3A_5[%swap3A] {strides = array<i32>} : memref<1536xf32, #tpu.memory_space<vmem>>, vector<16xf32>,
          tpu.vector_store %run_scoped3A_5[%swap3A], %gather3A {strides = array<i32>} : memref<1536xf32, #tpu.memory_space<vmem>>, vector<16xf32>,
          %add3A_58 = arith.constant 16 : i32
          %add3A_59 = vector.broadcast %add3A_58 : i32 to vector<16xi32>
          %add3A_60 = arith.addi %iota3A, %add3A_59 : vector<16xi32>
          %mul3A_61 = arith.constant 21846 : i32
          %mul3A_62 = vector.broadcast %mul3A_61 : i32 to vector<16xi32>
          %mul3A_63 = arith.muli %add3A_60, %mul3A_62 : vector<16xi32>
          %shift_right_arithmetic3A_64 = arith.constant 18 : i32
          %shift_right_arithmetic3A_65 = vector.broadcast %shift_right_arithmetic3A_64 : i32 to vector<16xi32>
          %shift_right_arithmetic3A_66 = arith.shrsi %mul3A_63, %shift_right_arithmetic3A_65 : vector<16xi32>
          %mul3A_67 = arith.constant 12 : i32
          %mul3A_68 = vector.broadcast %mul3A_67 : i32 to vector<16xi32>
          %mul3A_69 = arith.muli %shift_right_arithmetic3A_66, %mul3A_68 : vector<16xi32>
          %sub3A_70 = arith.subi %add3A_60, %mul3A_69 : vector<16xi32>
          %mul3A_71 = arith.constant 4 : i32
          %mul3A_72 = arith.muli %scan3A_33, %mul3A_71 : i32
          %add3A_73 = vector.broadcast %mul3A_72 : i32 to vector<16xi32>
          %add3A_74 = arith.addi %shift_right_arithmetic3A_66, %add3A_73 : vector<16xi32>
          %gather3A_75 = tpu.vector_load_idx %run_scoped3A[%sub3A_70, %add3A_74] : memref<12x128xf32, #tpu.memory_space<vmem>>[vector<16xi32>, vector<16xi32>], vector<16xf32>,
          %mul3A_76 = arith.constant 3 : i32
          %mul3A_77 = arith.muli %scan3A_33, %mul3A_76 : i32
          %mul3A_78 = arith.constant 16 : i32
          %mul3A_79 = arith.muli %mul3A_77, %mul3A_78 : i32
          %add3A_80 = arith.constant 16 : i32
          %add3A_81 = arith.addi %mul3A_79, %add3A_80 : i32
          %swap3A_82 = arith.index_cast %add3A_81 : i32 to index
          %swap3A_83 = tpu.vector_load %run_scoped3A_5[%swap3A_82] {strides = array<i32>} : memref<1536xf32, #tpu.memory_space<vmem>>, vector<16xf32>,
          tpu.vector_store %run_scoped3A_5[%swap3A_82], %gather3A_75 {strides = array<i32>} : memref<1536xf32, #tpu.memory_space<vmem>>, vector<16xf32>,
          %add3A_84 = arith.constant 32 : i32
          %add3A_85 = vector.broadcast %add3A_84 : i32 to vector<16xi32>
          %add3A_86 = arith.addi %iota3A, %add3A_85 : vector<16xi32>
          %mul3A_87 = arith.constant 21846 : i32
          %mul3A_88 = vector.broadcast %mul3A_87 : i32 to vector<16xi32>
          %mul3A_89 = arith.muli %add3A_86, %mul3A_88 : vector<16xi32>
          %shift_right_arithmetic3A_90 = arith.constant 18 : i32
          %shift_right_arithmetic3A_91 = vector.broadcast %shift_right_arithmetic3A_90 : i32 to vector<16xi32>
          %shift_right_arithmetic3A_92 = arith.shrsi %mul3A_89, %shift_right_arithmetic3A_91 : vector<16xi32>
          %mul3A_93 = arith.constant 12 : i32
          %mul3A_94 = vector.broadcast %mul3A_93 : i32 to vector<16xi32>
          %mul3A_95 = arith.muli %shift_right_arithmetic3A_92, %mul3A_94 : vector<16xi32>
          %sub3A_96 = arith.subi %add3A_86, %mul3A_95 : vector<16xi32>
          %mul3A_97 = arith.constant 4 : i32
          %mul3A_98 = arith.muli %scan3A_33, %mul3A_97 : i32
          %add3A_99 = vector.broadcast %mul3A_98 : i32 to vector<16xi32>
          %add3A_100 = arith.addi %shift_right_arithmetic3A_92, %add3A_99 : vector<16xi32>
          %gather3A_101 = tpu.vector_load_idx %run_scoped3A[%sub3A_96, %add3A_100] : memref<12x128xf32, #tpu.memory_space<vmem>>[vector<16xi32>, vector<16xi32>], vector<16xf32>,
          %mul3A_102 = arith.constant 3 : i32
          %mul3A_103 = arith.muli %scan3A_33, %mul3A_102 : i32
          %mul3A_104 = arith.constant 16 : i32
          %mul3A_105 = arith.muli %mul3A_103, %mul3A_104 : i32
          %add3A_106 = arith.constant 32 : i32
          %add3A_107 = arith.addi %mul3A_105, %add3A_106 : i32
          %swap3A_108 = arith.index_cast %add3A_107 : i32 to index
          %swap3A_109 = tpu.vector_load %run_scoped3A_5[%swap3A_108] {strides = array<i32>} : memref<1536xf32, #tpu.memory_space<vmem>>, vector<16xf32>,
          tpu.vector_store %run_scoped3A_5[%swap3A_108], %gather3A_101 {strides = array<i32>} : memref<1536xf32, #tpu.memory_space<vmem>>, vector<16xf32>,
          %scan3A_110 = arith.constant 0 : i32
          scf.yield %scan3A_110 : i32
        }
        %scan3A_29 = arith.constant 32 : i32
        %mul3A_30 = arith.constant 12 : i32
        %mul3A_31 = arith.muli %mul3A_4, %mul3A_30 : i32
        "tpu.region"() ({
          %run_scoped3A_33 = tpu.sem_alloc : memref<!tpu.dma_semaphore, #tpu.memory_space<semaphore_mem>>
          %dma_start3A = tpu.memref_slice %arg3[%while3A_22, %mul3A_31] : memref<32x24576xf32, #tpu.memory_space<hbm>> -> memref<1x1536xf32, #tpu.memory_space<hbm>>
          %dma_start3A_34 = tpu.memref_squeeze %dma_start3A : memref<1x1536xf32, #tpu.memory_space<hbm>> -> memref<1536xf32, #tpu.memory_space<hbm>>
          %dma_start3A_35 = tpu.memref_slice %arg3[%while3A_22, %mul3A_31] : memref<32x24576xf32, #tpu.memory_space<hbm>> -> memref<1x1536xf32, #tpu.memory_space<hbm>>
          %dma_start3A_36 = tpu.memref_squeeze %dma_start3A_35 : memref<1x1536xf32, #tpu.memory_space<hbm>> -> memref<1536xf32, #tpu.memory_space<hbm>>
          tpu.enqueue_dma source(%run_scoped3A_5 : memref<1536xf32, #tpu.memory_space<vmem>>) target(%dma_start3A_36 : memref<1536xf32, #tpu.memory_space<hbm>>) target_semaphore(%run_scoped3A_33 : memref<!tpu.dma_semaphore, #tpu.memory_space<semaphore_mem>>)
          %dma_wait3A = tpu.memref_slice %arg3[%while3A_22, %mul3A_31] : memref<32x24576xf32, #tpu.memory_space<hbm>> -> memref<1x1536xf32, #tpu.memory_space<hbm>>
          %dma_wait3A_37 = tpu.memref_squeeze %dma_wait3A : memref<1x1536xf32, #tpu.memory_space<hbm>> -> memref<1536xf32, #tpu.memory_space<hbm>>
          %dma_wait3A_38 = tpu.memref_slice %arg3[%while3A_22, %mul3A_31] : memref<32x24576xf32, #tpu.memory_space<hbm>> -> memref<1x1536xf32, #tpu.memory_space<hbm>>
          %dma_wait3A_39 = tpu.memref_squeeze %dma_wait3A_38 : memref<1x1536xf32, #tpu.memory_space<hbm>> -> memref<1536xf32, #tpu.memory_space<hbm>>
          tpu.wait_dma2 semaphore(%run_scoped3A_33 : memref<!tpu.dma_semaphore, #tpu.memory_space<semaphore_mem>>) src(%run_scoped3A_5 : memref<1536xf32, #tpu.memory_space<vmem>>) dst(%dma_wait3A_39 : memref<1536xf32, #tpu.memory_space<hbm>>)
          tpu.yield
        }) : () -> ()
        %while3A_32 = arith.constant 0 : i32
        scf.yield %while3A_32 : i32
      }
      %while3A_20 = arith.constant 1 : i32
      %while3A_21 = scf.for %while3A_22 = %while3A_17 to %while3A_13 step %while3A_20 iter_args(%while3A_23 = %while3A_19) -> (i32)  : i32 {
        "tpu.region"() ({
          %run_scoped3A_33 = tpu.sem_alloc : memref<!tpu.dma_semaphore, #tpu.memory_space<semaphore_mem>>
          %dma_start3A = arith.constant 0 : i32
          %dma_start3A_34 = tpu.memref_slice %arg2[%while3A_22, %dma_start3A, %mul3A_4] : memref<32x12x2048xf32, #tpu.memory_space<hbm>> -> memref<1x12x128xf32, #tpu.memory_space<hbm>>
          %dma_start3A_35 = tpu.memref_squeeze %dma_start3A_34 : memref<1x12x128xf32, #tpu.memory_space<hbm>> -> memref<12x128xf32, #tpu.memory_space<hbm>>
          %dma_start3A_36 = arith.constant 0 : i32
          %dma_start3A_37 = tpu.memref_slice %arg2[%while3A_22, %dma_start3A_36, %mul3A_4] : memref<32x12x2048xf32, #tpu.memory_space<hbm>> -> memref<1x12x128xf32, #tpu.memory_space<hbm>>
          %dma_start3A_38 = tpu.memref_squeeze %dma_start3A_37 : memref<1x12x128xf32, #tpu.memory_space<hbm>> -> memref<12x128xf32, #tpu.memory_space<hbm>>
          tpu.enqueue_dma source(%dma_start3A_38 : memref<12x128xf32, #tpu.memory_space<hbm>>) target(%run_scoped3A : memref<12x128xf32, #tpu.memory_space<vmem>>) target_semaphore(%run_scoped3A_33 : memref<!tpu.dma_semaphore, #tpu.memory_space<semaphore_mem>>)
          %dma_wait3A = arith.constant 0 : i32
          %dma_wait3A_39 = tpu.memref_slice %arg2[%while3A_22, %dma_wait3A, %mul3A_4] : memref<32x12x2048xf32, #tpu.memory_space<hbm>> -> memref<1x12x128xf32, #tpu.memory_space<hbm>>
          %dma_wait3A_40 = tpu.memref_squeeze %dma_wait3A_39 : memref<1x12x128xf32, #tpu.memory_space<hbm>> -> memref<12x128xf32, #tpu.memory_space<hbm>>
          %dma_wait3A_41 = arith.constant 0 : i32
          %dma_wait3A_42 = tpu.memref_slice %arg2[%while3A_22, %dma_wait3A_41, %mul3A_4] : memref<32x12x2048xf32, #tpu.memory_space<hbm>> -> memref<1x12x128xf32, #tpu.memory_space<hbm>>
          %dma_wait3A_43 = tpu.memref_squeeze %dma_wait3A_42 : memref<1x12x128xf32, #tpu.memory_space<hbm>> -> memref<12x128xf32, #tpu.memory_space<hbm>>
          tpu.wait_dma2 semaphore(%run_scoped3A_33 : memref<!tpu.dma_semaphore, #tpu.memory_space<semaphore_mem>>) src(%dma_wait3A_43 : memref<12x128xf32, #tpu.memory_space<hbm>>) dst(%run_scoped3A : memref<12x128xf32, #tpu.memory_space<vmem>>)
          tpu.yield
        }) : () -> ()
        %scan3A = arith.constant 0 : i32
        %scan3A_24 = arith.constant 0 : i32
        %scan3A_25 = arith.constant 32 : i32
        %scan3A_26 = arith.addi %scan3A_24, %scan3A_25 : i32
        %scan3A_27 = arith.constant 1 : i32
        %scan3A_28 = scf.for %scan3A_33 = %scan3A_24 to %scan3A_26 step %scan3A_27 iter_args(%scan3A_34 = %scan3A) -> (i32)  : i32 {
          %add3A_35 = arith.constant 0 : i32
          %add3A_36 = vector.broadcast %add3A_35 : i32 to vector<16xi32>
          %add3A_37 = arith.addi %iota3A, %add3A_36 : vector<16xi32>
          %mul3A_38 = arith.constant 21846 : i32
          %mul3A_39 = vector.broadcast %mul3A_38 : i32 to vector<16xi32>
          %mul3A_40 = arith.muli %add3A_37, %mul3A_39 : vector<16xi32>
          %shift_right_arithmetic3A_41 = arith.constant 18 : i32
          %shift_right_arithmetic3A_42 = vector.broadcast %shift_right_arithmetic3A_41 : i32 to vector<16xi32>
          %shift_right_arithmetic3A_43 = arith.shrsi %mul3A_40, %shift_right_arithmetic3A_42 : vector<16xi32>
          %mul3A_44 = arith.constant 12 : i32
          %mul3A_45 = vector.broadcast %mul3A_44 : i32 to vector<16xi32>
          %mul3A_46 = arith.muli %shift_right_arithmetic3A_43, %mul3A_45 : vector<16xi32>
          %sub3A = arith.subi %add3A_37, %mul3A_46 : vector<16xi32>
          %mul3A_47 = arith.constant 4 : i32
          %mul3A_48 = arith.muli %scan3A_33, %mul3A_47 : i32
          %add3A_49 = vector.broadcast %mul3A_48 : i32 to vector<16xi32>
          %add3A_50 = arith.addi %shift_right_arithmetic3A_43, %add3A_49 : vector<16xi32>
          %gather3A = tpu.vector_load_idx %run_scoped3A[%sub3A, %add3A_50] : memref<12x128xf32, #tpu.memory_space<vmem>>[vector<16xi32>, vector<16xi32>], vector<16xf32>,
          %mul3A_51 = arith.constant 3 : i32
          %mul3A_52 = arith.muli %scan3A_33, %mul3A_51 : i32
          %mul3A_53 = arith.constant 16 : i32
          %mul3A_54 = arith.muli %mul3A_52, %mul3A_53 : i32
          %add3A_55 = arith.constant 0 : i32
          %add3A_56 = arith.addi %mul3A_54, %add3A_55 : i32
          %swap3A = arith.index_cast %add3A_56 : i32 to index
          %swap3A_57 = tpu.vector_load %run_scoped3A_5[%swap3A] {strides = array<i32>} : memref<1536xf32, #tpu.memory_space<vmem>>, vector<16xf32>,
          tpu.vector_store %run_scoped3A_5[%swap3A], %gather3A {strides = array<i32>} : memref<1536xf32, #tpu.memory_space<vmem>>, vector<16xf32>,
          %add3A_58 = arith.constant 16 : i32
          %add3A_59 = vector.broadcast %add3A_58 : i32 to vector<16xi32>
          %add3A_60 = arith.addi %iota3A, %add3A_59 : vector<16xi32>
          %mul3A_61 = arith.constant 21846 : i32
          %mul3A_62 = vector.broadcast %mul3A_61 : i32 to vector<16xi32>
          %mul3A_63 = arith.muli %add3A_60, %mul3A_62 : vector<16xi32>
          %shift_right_arithmetic3A_64 = arith.constant 18 : i32
          %shift_right_arithmetic3A_65 = vector.broadcast %shift_right_arithmetic3A_64 : i32 to vector<16xi32>
          %shift_right_arithmetic3A_66 = arith.shrsi %mul3A_63, %shift_right_arithmetic3A_65 : vector<16xi32>
          %mul3A_67 = arith.constant 12 : i32
          %mul3A_68 = vector.broadcast %mul3A_67 : i32 to vector<16xi32>
          %mul3A_69 = arith.muli %shift_right_arithmetic3A_66, %mul3A_68 : vector<16xi32>
          %sub3A_70 = arith.subi %add3A_60, %mul3A_69 : vector<16xi32>
          %mul3A_71 = arith.constant 4 : i32
          %mul3A_72 = arith.muli %scan3A_33, %mul3A_71 : i32
          %add3A_73 = vector.broadcast %mul3A_72 : i32 to vector<16xi32>
          %add3A_74 = arith.addi %shift_right_arithmetic3A_66, %add3A_73 : vector<16xi32>
          %gather3A_75 = tpu.vector_load_idx %run_scoped3A[%sub3A_70, %add3A_74] : memref<12x128xf32, #tpu.memory_space<vmem>>[vector<16xi32>, vector<16xi32>], vector<16xf32>,
          %mul3A_76 = arith.constant 3 : i32
          %mul3A_77 = arith.muli %scan3A_33, %mul3A_76 : i32
          %mul3A_78 = arith.constant 16 : i32
          %mul3A_79 = arith.muli %mul3A_77, %mul3A_78 : i32
          %add3A_80 = arith.constant 16 : i32
          %add3A_81 = arith.addi %mul3A_79, %add3A_80 : i32
          %swap3A_82 = arith.index_cast %add3A_81 : i32 to index
          %swap3A_83 = tpu.vector_load %run_scoped3A_5[%swap3A_82] {strides = array<i32>} : memref<1536xf32, #tpu.memory_space<vmem>>, vector<16xf32>,
          tpu.vector_store %run_scoped3A_5[%swap3A_82], %gather3A_75 {strides = array<i32>} : memref<1536xf32, #tpu.memory_space<vmem>>, vector<16xf32>,
          %add3A_84 = arith.constant 32 : i32
          %add3A_85 = vector.broadcast %add3A_84 : i32 to vector<16xi32>
          %add3A_86 = arith.addi %iota3A, %add3A_85 : vector<16xi32>
          %mul3A_87 = arith.constant 21846 : i32
          %mul3A_88 = vector.broadcast %mul3A_87 : i32 to vector<16xi32>
          %mul3A_89 = arith.muli %add3A_86, %mul3A_88 : vector<16xi32>
          %shift_right_arithmetic3A_90 = arith.constant 18 : i32
          %shift_right_arithmetic3A_91 = vector.broadcast %shift_right_arithmetic3A_90 : i32 to vector<16xi32>
          %shift_right_arithmetic3A_92 = arith.shrsi %mul3A_89, %shift_right_arithmetic3A_91 : vector<16xi32>
          %mul3A_93 = arith.constant 12 : i32
          %mul3A_94 = vector.broadcast %mul3A_93 : i32 to vector<16xi32>
          %mul3A_95 = arith.muli %shift_right_arithmetic3A_92, %mul3A_94 : vector<16xi32>
          %sub3A_96 = arith.subi %add3A_86, %mul3A_95 : vector<16xi32>
          %mul3A_97 = arith.constant 4 : i32
          %mul3A_98 = arith.muli %scan3A_33, %mul3A_97 : i32
          %add3A_99 = vector.broadcast %mul3A_98 : i32 to vector<16xi32>
          %add3A_100 = arith.addi %shift_right_arithmetic3A_92, %add3A_99 : vector<16xi32>
          %gather3A_101 = tpu.vector_load_idx %run_scoped3A[%sub3A_96, %add3A_100] : memref<12x128xf32, #tpu.memory_space<vmem>>[vector<16xi32>, vector<16xi32>], vector<16xf32>,
          %mul3A_102 = arith.constant 3 : i32
          %mul3A_103 = arith.muli %scan3A_33, %mul3A_102 : i32
          %mul3A_104 = arith.constant 16 : i32
          %mul3A_105 = arith.muli %mul3A_103, %mul3A_104 : i32
          %add3A_106 = arith.constant 32 : i32
          %add3A_107 = arith.addi %mul3A_105, %add3A_106 : i32
          %swap3A_108 = arith.index_cast %add3A_107 : i32 to index
          %swap3A_109 = tpu.vector_load %run_scoped3A_5[%swap3A_108] {strides = array<i32>} : memref<1536xf32, #tpu.memory_space<vmem>>, vector<16xf32>,
          tpu.vector_store %run_scoped3A_5[%swap3A_108], %gather3A_101 {strides = array<i32>} : memref<1536xf32, #tpu.memory_space<vmem>>, vector<16xf32>,
          %scan3A_110 = arith.constant 0 : i32
          scf.yield %scan3A_110 : i32
        }
        %scan3A_29 = arith.constant 32 : i32
        %mul3A_30 = arith.constant 12 : i32
        %mul3A_31 = arith.muli %mul3A_4, %mul3A_30 : i32
        "tpu.region"() ({
          %run_scoped3A_33 = tpu.sem_alloc : memref<!tpu.dma_semaphore, #tpu.memory_space<semaphore_mem>>
          %dma_start3A = tpu.memref_slice %arg3[%while3A_22, %mul3A_31] : memref<32x24576xf32, #tpu.memory_space<hbm>> -> memref<1x1536xf32, #tpu.memory_space<hbm>>
          %dma_start3A_34 = tpu.memref_squeeze %dma_start3A : memref<1x1536xf32, #tpu.memory_space<hbm>> -> memref<1536xf32, #tpu.memory_space<hbm>>
          %dma_start3A_35 = tpu.memref_slice %arg3[%while3A_22, %mul3A_31] : memref<32x24576xf32, #tpu.memory_space<hbm>> -> memref<1x1536xf32, #tpu.memory_space<hbm>>
          %dma_start3A_36 = tpu.memref_squeeze %dma_start3A_35 : memref<1x1536xf32, #tpu.memory_space<hbm>> -> memref<1536xf32, #tpu.memory_space<hbm>>
          tpu.enqueue_dma source(%run_scoped3A_5 : memref<1536xf32, #tpu.memory_space<vmem>>) target(%dma_start3A_36 : memref<1536xf32, #tpu.memory_space<hbm>>) target_semaphore(%run_scoped3A_33 : memref<!tpu.dma_semaphore, #tpu.memory_space<semaphore_mem>>)
          %dma_wait3A = tpu.memref_slice %arg3[%while3A_22, %mul3A_31] : memref<32x24576xf32, #tpu.memory_space<hbm>> -> memref<1x1536xf32, #tpu.memory_space<hbm>>
          %dma_wait3A_37 = tpu.memref_squeeze %dma_wait3A : memref<1x1536xf32, #tpu.memory_space<hbm>> -> memref<1536xf32, #tpu.memory_space<hbm>>
          %dma_wait3A_38 = tpu.memref_slice %arg3[%while3A_22, %mul3A_31] : memref<32x24576xf32, #tpu.memory_space<hbm>> -> memref<1x1536xf32, #tpu.memory_space<hbm>>
          %dma_wait3A_39 = tpu.memref_squeeze %dma_wait3A_38 : memref<1x1536xf32, #tpu.memory_space<hbm>> -> memref<1536xf32, #tpu.memory_space<hbm>>
          tpu.wait_dma2 semaphore(%run_scoped3A_33 : memref<!tpu.dma_semaphore, #tpu.memory_space<semaphore_mem>>) src(%run_scoped3A_5 : memref<1536xf32, #tpu.memory_space<vmem>>) dst(%dma_wait3A_39 : memref<1536xf32, #tpu.memory_space<hbm>>)
          tpu.yield
        }) : () -> ()
        %while3A_32 = arith.constant 0 : i32
        scf.yield %while3A_32 : i32
      }
      tpu.yield
    }) : () -> ()
    return
  }
}

module attributes {stable_mosaic.version = 14 : i64} {
  func.func @_tc_body(%arg0: i32, %arg1: i32, %arg2: memref<1x1x24576xf32, #tpu.memory_space<vmem>>, %arg3: memref<64x288xbf16, #tpu.memory_space<vmem>>, %arg4: memref<64x8xbf16, #tpu.memory_space<vmem>>, %arg5: memref<1x64x24576xf32, #tpu.memory_space<vmem>>) attributes {dimension_semantics = [#tpu.dimension_semantics<parallel>, #tpu.dimension_semantics<parallel>], iteration_bounds = array<i64: 32, 1>, scalar_prefetch = 0 : i64, scratch_operands = 0 : i64, tpu.core_type = #tpu.core_type<tc>, window_params = [{transform_indices = @transform_0, window_bounds = array<i64: 1, 1, 24576>}, {pipeline_mode = #tpu.pipeline_mode<synchronous>, transform_indices = @transform_1, window_bounds = array<i64: 64, 288>}, {pipeline_mode = #tpu.pipeline_mode<synchronous>, transform_indices = @transform_2, window_bounds = array<i64: 64, 8>}, {transform_indices = @transform_3, window_bounds = array<i64: 1, 64, 24576>}]} {
    %get3A = arith.constant 0 : index
    %get3A_0 = arith.constant 0 : index
    %get3A_1 = arith.constant 0 : index
    %get3A_2 = vector.load %arg2[%get3A, %get3A_0, %get3A_1] : memref<1x1x24576xf32, #tpu.memory_space<vmem>>, vector<1x1x24576xf32>
    %get3A_3 = vector.shape_cast %get3A_2 : vector<1x1x24576xf32> to vector<1x24576xf32>
    %convert_element_type3A = arith.fptosi %get3A_3 : vector<1x24576xf32> to vector<1x24576xi32>
    %shift_right_arithmetic3A = arith.constant 3 : i32
    %shift_right_arithmetic3A_4 = vector.broadcast %shift_right_arithmetic3A : i32 to vector<1x24576xi32>
    %shift_right_arithmetic3A_5 = arith.shrsi %convert_element_type3A, %shift_right_arithmetic3A_4 : vector<1x24576xi32>
    %and3A = arith.constant 7 : i32
    %and3A_6 = vector.broadcast %and3A : i32 to vector<1x24576xi32>
    %and3A_7 = arith.andi %convert_element_type3A, %and3A_6 : vector<1x24576xi32>
    %iota3A = tpu.iota {dimensions = array<i32: 0>} : vector<288x24576xi32>
    %iota3A_8 = tpu.iota {dimensions = array<i32: 0>} : vector<8x24576xi32>
    %eq3A = vector.broadcast %shift_right_arithmetic3A_5 : vector<1x24576xi32> to vector<288x24576xi32>
    %eq3A_9 = arith.cmpi eq, %eq3A, %iota3A : vector<288x24576xi32>
    %convert_element_type3A_10 = arith.extui %eq3A_9 : vector<288x24576xi1> to vector<288x24576xi32>
    %convert_element_type3A_11 = arith.sitofp %convert_element_type3A_10 : vector<288x24576xi32> to vector<288x24576xf32>
    %convert_element_type3A_12 = arith.truncf %convert_element_type3A_11 : vector<288x24576xf32> to vector<288x24576xbf16>
    %eq3A_13 = vector.broadcast %and3A_7 : vector<1x24576xi32> to vector<8x24576xi32>
    %eq3A_14 = arith.cmpi eq, %eq3A_13, %iota3A_8 : vector<8x24576xi32>
    %convert_element_type3A_15 = arith.extui %eq3A_14 : vector<8x24576xi1> to vector<8x24576xi32>
    %convert_element_type3A_16 = arith.sitofp %convert_element_type3A_15 : vector<8x24576xi32> to vector<8x24576xf32>
    %convert_element_type3A_17 = arith.truncf %convert_element_type3A_16 : vector<8x24576xf32> to vector<8x24576xbf16>
    %get3A_18 = arith.constant 0 : index
    %get3A_19 = arith.constant 0 : index
    %get3A_20 = vector.load %arg3[%get3A_18, %get3A_19] : memref<64x288xbf16, #tpu.memory_space<vmem>>, vector<64x288xbf16>
    %dot_general3A = arith.constant dense<0.000000e+00> : vector<64x24576xf32>
    %dot_general3A_21 = tpu.matmul %get3A_20, %convert_element_type3A_12, %dot_general3A {dimension_numbers = #tpu.dot_dimension_numbers<[1], [0], [0], [1], [0, 0, 1, 1], [], []>, transpose_lhs_hint = false} : vector<64x288xbf16>, vector<288x24576xbf16>, vector<64x24576xf32> -> vector<64x24576xf32>
    %get3A_22 = arith.constant 0 : index
    %get3A_23 = arith.constant 0 : index
    %get3A_24 = vector.load %arg4[%get3A_22, %get3A_23] : memref<64x8xbf16, #tpu.memory_space<vmem>>, vector<64x8xbf16>
    %dot_general3A_25 = arith.constant dense<0.000000e+00> : vector<64x24576xf32>
    %dot_general3A_26 = tpu.matmul %get3A_24, %convert_element_type3A_17, %dot_general3A_25 {dimension_numbers = #tpu.dot_dimension_numbers<[1], [0], [0], [1], [0, 0, 1, 1], [], []>, transpose_lhs_hint = false} : vector<64x8xbf16>, vector<8x24576xbf16>, vector<64x24576xf32> -> vector<64x24576xf32>
    %add3A = arith.addf %dot_general3A_21, %dot_general3A_26 : vector<64x24576xf32>
    %swap3A = arith.constant 0 : index
    %swap3A_27 = arith.constant 0 : index
    %swap3A_28 = arith.constant 0 : index
    %swap3A_29 = vector.load %arg5[%swap3A, %swap3A_27, %swap3A_28] : memref<1x64x24576xf32, #tpu.memory_space<vmem>>, vector<1x64x24576xf32>
    %swap3A_30 = vector.shape_cast %swap3A_29 : vector<1x64x24576xf32> to vector<64x24576xf32>
    %swap3A_31 = vector.shape_cast %add3A : vector<64x24576xf32> to vector<1x64x24576xf32>
    tpu.vector_store %arg5[%swap3A, %swap3A_27, %swap3A_28], %swap3A_31 {strides = array<i32>} : memref<1x64x24576xf32, #tpu.memory_space<vmem>>, vector<1x64x24576xf32>,
    return
  }
  func.func @transform_0(%arg0: i32, %arg1: i32) -> (i32, i32, i32) {
    %c0_i32 = arith.constant 0 : i32
    %c0_i32_0 = arith.constant 0 : i32
    return %arg0, %c0_i32, %arg1 : i32, i32, i32
  }
  func.func @transform_1(%arg0: i32, %arg1: i32) -> (i32, i32) {
    %c0_i32 = arith.constant 0 : i32
    %c0_i32_0 = arith.constant 0 : i32
    %c0_i32_1 = arith.constant 0 : i32
    return %c0_i32, %c0_i32_0 : i32, i32
  }
  func.func @transform_2(%arg0: i32, %arg1: i32) -> (i32, i32) {
    %c0_i32 = arith.constant 0 : i32
    %c0_i32_0 = arith.constant 0 : i32
    %c0_i32_1 = arith.constant 0 : i32
    return %c0_i32, %c0_i32_0 : i32, i32
  }
  func.func @transform_3(%arg0: i32, %arg1: i32) -> (i32, i32, i32) {
    %c0_i32 = arith.constant 0 : i32
    %c0_i32_0 = arith.constant 0 : i32
    return %arg0, %c0_i32, %arg1 : i32, i32, i32
  }
}

</mosaic_0001>

<sc_bundles>
// kernel: kernel.4.cloned.1.call-start
scs
__scs_entry_jumppad:
0x0: {  	(pc) =	sbr.rel $0x88, $3  }
0x1: {  	(tag) =	ssettag $0x0;
	lr =	simm.s32 $0x1  }
0x2: {  	[smem:$0x3F9E] =	sst lr;
	_ =	strace $0xD0000000  }
0x3: {  	_ = 	snop  }
0x4: {  	_ = 	snop  }
0x5: {  	_ = 	snop  }
0x6: {  	_ = 	snop  }
0x7: {  	_ = 	snop  }
__scs_overlays_trampoline_lowered:
0x8: {  	[smem:$0x3FAD] =	sst s0  }
0x9: {  	[smem:$0x3FAE] =	sst s1  }
0xa: {  	[smem:$0x3FAF] =	sst s2  }
0xb: {  	[smem:$0x3FB0] =	sst s3  }
0xc: {  	[smem:$0x3FB1] =	sst s4  }
0xd: {  	[smem:$0x3FB2] =	sst s5  }
0xe: {  	[smem:$0x3FB3] =	sst s6  }
0xf: {  	[smem:$0x3FB4] =	sst s7  }
0x10: {  	[smem:$0x3FB5] =	sst s8  }
0x11: {  	[smem:$0x3FB6] =	sst s9;
	s0 =	simm.s32 @!p0 $0x0  }
0x12: {  	s1 =	sld [smem:$0x3F9C];
	s0 =	simm.s32 @p0 $0x1  }
0x13: {  	[smem:$0x3FB7] =	sst s0;
	s0 =	simm.s32 @!p1 $0x0  }
0x14: {  	s2 =	sld [smem:$0x3F9B];
	s0 =	simm.s32 @p1 $0x1  }
0x15: {  	[smem:$0x3FB8] =	sst s0;
	s0 =	simm.s32 @!p2 $0x0  }
0x16: {  	s3 =	sld [smem:$0x3FDB];
	s0 =	simm.s32 @p2 $0x1  }
0x17: {  	s4 =	simm.s32 $0x1BF5;
	[smem:$0x3FBA] =	sst s0  }
0x18: {  	s0 =	sld [smem:$0x3F9D];
	_ =	swait.ge [sflag:s4], $0x0  }
0x19: {  	s7 =	sld [smem:$0x3F9E]  }
0x1a: {  	s8 =	sadd.s32 $0xFFFFE003, lr  }
0x1b: {  	s9 =	sadd.s32 $0xFFFFFEF7, lr;
	s5 =	simm.s32 $0xFFFFFFFF;
	p2 =	slt.u32 s8, $0xFFFFF086  }
0x1c: {  	p1 =	slt.u32 s9, $0xF7A;
	s5 =	simm.s32 @!p2 $0x0  }
0x1d: {  	s5 =	simm.s32 @p1 $0x1;
	p0 =	seq.s32 s7, s2  }
0x1e: {  	s7 =	smul.u32 @!p0 $0xF7A, s2;
	p2 =	seq.s32 @!p0 s5, $0x0  }
0x1f: {  	s9 =	smul.u32 $0xF7A, s1;
	s8 =	simm.s32 @!p0 $0x1BF5;
	p2 =	por !p2, p0  }
0x20: {  	[sflag:s8] =	ssyncset.s32 @!p0 $0xFFFFF086;
	s6 =	sadd.s32 @!p0 s3, s7;
	s7 =	simm.s32 @!p0 $0x108  }
0x21: {  	s3 =	sadd.s32 s3, s9;
	s6 =	sadd.s32 @!p0 $0x88, s6;
	s7 =	simm.s32 @p2 $0x1082  }
0x22: {  	[simem:s7], [sflag:s8] =	dma.local @!p0 [hbm:s6], $0xF7A  }
0x23: {  	s9 =	sor.u32 $0xD0000000, s2;
	s6 =	simm.s32 $0x108;
	_ =	swait.ge @!p0 [sflag:s8], $0x0  }
0x24: {  	s3 =	sadd.s32 $0x88, s3;
	s6 =	simm.s32 @!p1 $0x1082;
	[sflag:s4] =	ssyncset.s32 $0xFFFFF086  }
0x25: {  	[simem:s6], [sflag:s4] =	dma.local [hbm:s3], $0xF7A  }
0x26: {  	[smem:$0x3F9E] =	sst s1;
	(tag) =	ssettag s2;
	_ =	strace s9  }
0x27: {  	s1 =	sld [smem:$0x3FAE]  }
0x28: {  	s2 =	sld [smem:$0x3FAF]  }
0x29: {  	s4 =	sld [smem:$0x3FB1]  }
0x2a: {  	p0 =	seq.s32 s5, $0x0;
	s5 =	sld [smem:$0x3FB2]  }
0x2b: {  	s6 =	sld [smem:$0x3FB3]  }
0x2c: {  	s7 =	sld [smem:$0x3FB4]  }
0x2d: {  	s3 =	simm.s32 $0x108;
	s8 =	sld [smem:$0x3FB5]  }
0x2e: {  	s3 =	simm.s32 @!p0 $0x1082;
	s9 =	sld [smem:$0x3FB6]  }
0x2f: {  	lr =	sadd.s32 s0, s3;
	s0 =	sld [smem:$0x3FAD]  }
0x30: {  	s3 =	sld [smem:$0x3FB0]  }
0x31: {  	[smem:$0x3FB9] =	sst s10  }
0x32: {  	s10 =	sld [smem:$0x3FB7];
	_ =	sdelay $0x3  }
0x33: {  	p0 =	seq.s32 s10, $0x1;
	s10 =	sld [smem:$0x3FB9];
	_ =	sdelay $0x3  }
0x34: {  	[smem:$0x3FB9] =	sst s10  }
0x35: {  	s10 =	sld [smem:$0x3FB8];
	_ =	sdelay $0x3  }
0x36: {  	p1 =	seq.s32 s10, $0x1;
	s10 =	sld [smem:$0x3FB9];
	_ =	sdelay $0x3  }
0x37: {  	[smem:$0x3FB9] =	sst s10  }
0x38: {  	s10 =	sld [smem:$0x3FBA]  }
0x39: {  	_ = 	snop;
	(pc) =	sbr.ind lr, $3  }
0x3a: {  	_ = 	snop  }
0x3b: {  	_ = 	snop  }
0x3c: {  	p2 =	seq.s32 s10, $0x1;
	s10 =	sld [smem:$0x3FB9]  }
0x3d: {  	_ =	shalt  }
0x3e: {  	_ =	shalt  }
0x3f: {  	_ =	shalt  }
0x40: {  	_ =	shalt  }
0x41: {  	_ =	shalt  }
0x42: {  	_ =	shalt  }
0x43: {  	_ =	shalt  }
0x44: {  	_ =	shalt  }
0x45: {  	_ =	shalt  }
0x46: {  	_ =	shalt  }
0x47: {  	_ =	shalt  }
0x48: {  	_ =	shalt  }
0x49: {  	_ =	shalt  }
0x4a: {  	_ =	shalt  }
0x4b: {  	_ =	shalt  }
0x4c: {  	_ =	shalt  }
0x4d: {  	_ =	shalt  }
0x4e: {  	_ =	shalt  }
0x4f: {  	_ =	shalt  }
0x50: {  	_ =	shalt  }
0x51: {  	_ =	shalt  }
0x52: {  	_ =	shalt  }
0x53: {  	_ =	shalt  }
0x54: {  	_ =	shalt  }
0x55: {  	_ =	shalt  }
0x56: {  	_ =	shalt  }
0x57: {  	_ =	shalt  }
0x58: {  	_ =	shalt  }
0x59: {  	_ =	shalt  }
0x5a: {  	_ =	shalt  }
0x5b: {  	_ =	shalt  }
0x5c: {  	_ =	shalt  }
0x5d: {  	_ =	shalt  }
0x5e: {  	_ =	shalt  }
0x5f: {  	_ =	shalt  }
0x60: {  	_ =	shalt  }
0x61: {  	_ =	shalt  }
0x62: {  	_ =	shalt  }
0x63: {  	_ =	shalt  }
0x64: {  	_ =	shalt  }
0x65: {  	_ =	shalt  }
0x66: {  	_ =	shalt  }
0x67: {  	_ =	shalt  }
0x68: {  	_ =	shalt  }
0x69: {  	_ =	shalt  }
0x6a: {  	_ =	shalt  }
0x6b: {  	_ =	shalt  }
0x6c: {  	_ =	shalt  }
0x6d: {  	_ =	shalt  }
0x6e: {  	_ =	shalt  }
0x6f: {  	_ =	shalt  }
0x70: {  	_ =	shalt  }
0x71: {  	_ =	shalt  }
0x72: {  	_ =	shalt  }
0x73: {  	_ =	shalt  }
0x74: {  	_ =	shalt  }
0x75: {  	_ =	shalt  }
0x76: {  	_ =	shalt  }
0x77: {  	_ =	shalt  }
0x78: {  	_ =	shalt  }
0x79: {  	_ =	shalt  }
0x7a: {  	_ =	shalt  }
0x7b: {  	_ =	shalt  }
0x7c: {  	_ =	shalt  }
0x7d: {  	_ =	shalt  }
0x7e: {  	_ =	shalt  }
0x7f: {  	_ =	shalt  }
0x80: {  	_ =	shalt  }
0x81: {  	_ =	shalt  }
0x82: {  	_ =	shalt  }
0x83: {  	_ =	shalt  }
0x84: {  	_ =	shalt  }
0x85: {  	_ =	shalt  }
0x86: {  	_ =	shalt  }
0x87: {  	_ =	shalt  }
.Lfunc_end0:
.L_simem_size_0:
called_computation.1_lowered:
.L_overlay_start_0:
0x88: {  	s2 =	sld [smem:$0x3FD9]  }
0x89: {  	s3 =	sld [smem:$0x3FFE];
	_ =	sdelay $0x1  }
0x8a: {  	s1 =	srdreg.scid  }
0x8b: {  	s0 =	sand.u32 $0x1, s1  }
0x8c: {  	s17 =	sshll.u32 s0, $0xA;
	s2 =	sadd.s32 s3, s2  }
0x8d: {  	s2 =	sadd.s32 s2, s17  }
0x8e: {  	[smem:$0x3FC5] =	sst s2  }
0x8f: {  	_ = 	snop  }
0x90: {  	s2 =	sld [smem:$0x3FD0];
	(tm) =	ssettm $0x1  }
0x91: {  	s18 =	sld [smem:$0x3FFB];
	_ =	sdelay $0x3  }
0x92: {  	_ =	strace s18  }
0x93: {  	s3 =	sld [smem:$0x3FFC];
	_ =	sdelay $0x3  }
0x94: {  	_ =	strace s3  }
0x95: {  	s3 =	sld [smem:$0x3FFD];
	_ =	sdelay $0x3  }
0x96: {  	_ =	strace s3  }
0x97: {  	_ =	strace $0x8FFFFFFF  }
0x98: {  	s19 =	sld [smem:$0x3FDB];
	_ =	sdelay $0x1  }
0x99: {  	s4 =	simm.s32 $_scs_section_size  }
0x9a: {  	s5 =	simm.s32 $_size__tile_overlayer_lowered;
	s6 =	simm.s32 $_tile_overlayer_lowered  }
0x9b: {  	s22 =	simm.s32 $0x1BFF;
	s21 =	sshll.u32 s6, $0x1;
	s3 =	sadd.s32 s4, s19  }
0x9c: {  	s7 =	simm.s32 $0x0;
	s20 =	sshll.u32 s5, $0x1;
	s5 =	sadd.s32 s21, s3  }
0x9d: {  	[timem:s7], [sflag:s22] =	dma.local [hbm:s5], s20  }
0x9e: {  	_ =	swait.ge [sflag:s22], s20  }
0x9f: {  	s4 =	ssub.s32 $0x0, s20;
	[sflag:s22] =	ssyncset.done $0x0  }
0xa0: {  	[sflag:s22] =	ssyncadd.s32 s4;
	_ =	sdelay $0x1  }
0xa1: {  	s23 =	simm.s32 $0x1B8B  }
0xa2: {  	_ =	swait.ge [sflag:s23], $0x1  }
0xa3: {  	[sflag:s23] =	ssyncset.done $0x0  }
0xa4: {  	s25 =	simm.s32 $0x1B8E;
	s24 =	sld [smem:$0x3FFE];
	[sflag:s23] =	ssyncadd.s32 $0xFFFFFFFF  }
0xa5: {  	s26 =	simm.s32 $execute0_lowered;
	[smem:$0x3FD2] =	sst s25  }
0xa6: {  	s5 =	sshll.u32 s26, $0x1;
	_ =	strace $0x80000046;
	[dreg:$0x1] =	wrdreg $0xFFFFFFFF  }
0xa7: {  	s28 =	simm.s32 $_size_execute0_lowered;
	s3 =	sadd.s32 s3, s5;
	[dreg:$0x0] =	wrdreg $0x0  }
0xa8: {  	s5 =	sshll.u32 s28, $0x1;
	[dreg:$0x2] =	wrdreg s3  }
0xa9: {  	[dreg:$0x3] =	wrdreg s5  }
0xaa: {  	[dreg:$0x4] =	wrdreg $0xC0  }
0xab: {  	_ =	task [dreg:s7], $0x5FFFF  }
0xac: {  	[dreg:$0x1] =	wrdreg $0xFFFFFFFF  }
0xad: {  	[dreg:$0x0] =	wrdreg $0x60  }
0xae: {  	[dreg:$0x2] =	wrdreg s2  }
0xaf: {  	[dreg:$0x3] =	wrdreg s24  }
0xb0: {  	[dreg:$0x4] =	wrdreg $0x9  }
0xb1: {  	_ =	task.clear_ibuf [dreg:s7], $0x5FFFF;
	_ =	strace $0x90000046  }
0xb2: {  	s29 =	simm.s32 $0x9;
	_ =	strace $0x80000048  }
0xb3: {  	_ =	swait.ge [sflag:s29], $0x1  }
0xb4: {  	[sflag:s29] =	ssyncadd.s32 $0xFFFFFFFF  }
0xb5: {  	_ =	strace $0x90000048  }
0xb6: {  	_ =	sfence  }
0xb7: {  	s30 =	sld [smem:$0x0];
	_ =	sdelay $0x2  }
0xb8: {  	s31 =	sshll.u32 s1, $0xD;
	s1 =	sshrl.u32 s1, $0x2  }
0xb9: {  	s3 =	sand.u32 $0x4000, s31;
	s1 =	sadd.s32 s1, s30  }
0xba: {  	s0 =	sor.u32 s3, s0;
	s1 =	sshll.u32 s1, $0x11  }
0xbb: {  	s0 =	sor.u32 s1, s0  }
0xbc: {  	s0 =	sadd.s32 $0x8F2B, s0  }
0xbd: {  	[sflag:s0] =	ssyncadd.remote.s32 $0x1  }
0xbe: {  	_ =	sfence.sel $0xFFFF  }
0xbf: {  	[dreg:$0x0] =	wrdreg $0xFFFFFFFF;
	(pc) =	sbr.abs _section_cstart, $3  }
0xc0: {  	[dreg:$0x1] =	wrdreg $0xFFFFFFFF  }
0xc1: {  	_ =	task.clear_ibuf [dreg:s7], $0x2FFFF;
	_ =	strace $0x9FFFFFFF  }
0xc2: {  	(tm) =	ssettm $0x7FFFFFFF  }
0xc3: {  	_ =	shalt  }
tec
execute0_lowered:
.L_overlay_start_1:
0x0: {  	(tag) =	ssettag $0x1  }
0x1: {  	v0 =	vimm.s32 $0x181;
	vm0 =	vcmask $0x300;
	vm1 =	vcmask $0x704  }
0x2: {  	vm2 =	vcmask $0xB08;
	vm3 =	vcmask $0xF0C;
	vm4 =	vcmask $0x1310  }
0x3: {  	vm5 =	vcmask $0x1714;
	vm6 =	vcmask $0x1B18;
	vm7 =	vcmask $0x1F1C  }
0x4: {  	v1 =	vimm.s32 $0x382;
	v2 =	vimm.s32 $0x583;
	vm9 =	vcmask $0x2320  }
0x5: {  	vm10 =	vcmask $0x2724;
	vm11 =	vcmask $0x2B28;
	vm12 =	vcmask $0x2F2C  }
0x6: {  	vm13 =	vcmask $0x3330;
	vm14 =	vcmask $0x3734;
	vm15 =	vcmask $0x3B38  }
0x7: {  	v0 =	vsel vm0, $0x0, v0;
	v1 =	vsel vm0, $0x201, v1;
	v2 =	vsel vm0, $0x402, v2  }
0x8: {  	v0 =	vsel vm1, $0x80, v0;
	v1 =	vsel vm1, $0x281, v1;
	v2 =	vsel vm1, $0x482, v2  }
0x9: {  	v0 =	vsel vm2, $0x100, v0;
	v1 =	vsel vm2, $0x301, v1;
	v2 =	vsel vm2, $0x502, v2  }
0xa: {  	v0 =	vsel vm3, $0x180, v0;
	v1 =	vsel vm3, $0x381, v1;
	v2 =	vsel vm3, $0x582, v2  }
0xb: {  	v0 =	vsel vm4, $0x200, v0;
	v1 =	vsel vm4, $0x401, v1;
	v2 =	vsel vm4, $0x3, v2  }
0xc: {  	s0 =	rddreg [dreg:$0x0];
	v0 =	vsel vm5, $0x280, v0;
	v1 =	vsel vm5, $0x481, v1;
	v2 =	vsel vm5, $0x83, v2  }
0xd: {  	s4 =	rddreg [dreg:$0x1];
	v0 =	vsel vm6, $0x300, v0;
	v1 =	vsel vm6, $0x501, v1;
	v2 =	vsel vm6, $0x103, v2  }
0xe: {  	s1 =	rddreg [dreg:$0x2];
	s2 =	simm.s32 $0x0;
	s5 =	srdreg.scid;
	v0 =	vsel vm7, $0x380, v0;
	v1 =	vsel vm7, $0x581, v1;
	v2 =	vsel vm7, $0x183, v2  }
0xf: {  	s3 =	stileid.u32;
	s11 =	simm.s32 $0x1;
	s12 =	simm.s32 $0x80;
	v0 =	vsel vm9, $0x400, v0;
	v1 =	vsel vm9, $0x2, v1;
	v2 =	vsel vm9, $0x203, v2  }
0x10: {  	s13 =	simm.s32 $0x600;
	s14 =	simm.s32 $0x0;
	[smem:$0x7FF] =	sst s2;
	v0 =	vsel vm10, $0x480, v0;
	v1 =	vsel vm10, $0x82, v1;
	v2 =	vsel vm10, $0x283, v2  }
0x11: {  	s5 =	sand.u32 $0x1, s5;
	s9 =	sshll.u32 s3, $0x1;
	s4 =	sadd.s32 $0xE00, s4;
	v0 =	vsel vm11, $0x500, v0;
	v1 =	vsel vm11, $0x102, v1;
	v2 =	vsel vm11, $0x303, v2  }
0x12: {  	_ =	strace $0x80000047;
	s6 =	ssub.s32 $0x2, s5;
	s8 =	sand.u32 $0xE, s9;
	v0 =	vsel vm12, $0x580, v0;
	v1 =	vsel vm12, $0x182, v1;
	v2 =	vsel vm12, $0x383, v2  }
0x13: {  	s7 =	sshrl.u32 s6, $0x1;
	s31 =	sor.u32 s5, s8;
	s5 =	sand.u32 $0x10, s9;
	v0 =	vsel vm13, $0x1, v0;
	v1 =	vsel vm13, $0x202, v1;
	v2 =	vsel vm13, $0x403, v2  }
0x14: {  	s9 =	sor.u32 $0xF, s9;
	s10 =	ssub.s32 s6, s7;
	s6 =	sshll.u32 s31, $0xA;
	v0 =	vsel vm14, $0x81, v0;
	v1 =	vsel vm14, $0x282, v1;
	v2 =	vsel vm14, $0x483, v2  }
0x15: {  	s7 =	smul.u32 $0x3000, s31;
	s8 =	smax.u32 s10, $0x1;
	s10 =	simm.s32 $0x400;
	v0 =	vsel vm15, $0x101, v0;
	v1 =	vsel vm15, $0x302, v1;
	v2 =	vsel vm15, $0x503, v2  }
.LBB2_1:
0x16: {  	s15 =	smov.u32 s5  }
.LBB2_2:
0x17: {  	s16 =	sshll.u32 s15, $0xF  }
0x18: {  	s16 =	sor.u32 s6, s16  }
0x19: {  	s16 =	sshrl.u32 s16, $0x3  }
0x1a: {  	s17 =	simm.s32 $0x0;
	s16 =	sadd.s32 s0, s16  }
0x1b: {  	[tilespmem:s17], [sflag:$0x1] =	stream.linear.gather [hbm4b:s16+s17], $0x400, $0x38;
	[tilespmem:$0xC00] =	vst v63  }
0x1c: {  	v3 =	vor.u32 s17, v2;
	s16 =	sadd.s32 $0x800, s16  }
0x1d: {  	v4 =	vor.u32 s17, v0;
	[tilespmem:s10], [sflag:$0x1] =	stream.linear.gather [hbm4b:s16+s17], $0x200, $0x38;
	[tilespmem:$0xC00] =	vst v63  }
0x1e: {  	v5 =	vor.u32 s17, v1;
	_ =	swait.ge [sflag:s11], $0x600  }
0x1f: {  	[sflag:s11] =	ssyncset.done $0x0  }
0x20: {  	s18 =	simm.s32 $0x4;
	[sflag:s11] =	ssyncadd.s32 $0xFFFFFA00  }
0x21: {  	v8 =	vld.idx.msk [tilespmem:v3+s2+$0x0], $0xffff;
	v3 =	vor.u32 s18, v2  }
0x22: {  	v7 =	vor.u32 s18, v0;
	v4 =	vld.idx.msk [tilespmem:v4+s2+$0x0], $0xffff  }
0x23: {  	v6 =	vor.u32 s18, v1;
	v5 =	vld.idx.msk [tilespmem:v5+s2+$0x0], $0xffff;
	_ =	sdelay $0x1  }
0x24: {  	s16 =	simm.s32 $0x620  }
0x25: {  	s17 =	simm.s32 $0x8;
	v3 =	vld.idx.msk [tilespmem:v3+s2+$0x0], $0xffff;
	[tilespmem:s16+$0x0] =	vst v8  }
.LBB2_3:
0x26: {  	v8 =	vor.u32 s17, v2;
	p0 =	sne.s32 s17, $0x7C;
	[tilespmem:s16+$0xFFFFFFE0] =	vst v4;
	v4 =	vld.idx.msk [tilespmem:v7+s2+$0x0], $0xffff;
	s18 =	smov.u32 s17;
	s17 =	sadd.s32 $0x4, s17  }
.Ltmp0:
0x27: {  	v7 =	vor.u32 s18, v0;
	[tilespmem:s16+$0xFFFFFFF0] =	vst v5;
	v5 =	vld.idx.msk [tilespmem:v6+s2+$0x0], $0xffff;
	(pc) =	sbr.rel @p0 .LBB2_3-.Ltmp0, $3  }
0x28: {  	v6 =	vor.u32 s18, v1;
	_ =	sdelay $0x1  }
0x29: {  	s16 =	sadd.s32 $0x30, s16  }
0x2a: {  	[tilespmem:s16+$0x0] =	vst v3;
	v3 =	vld.idx.msk [tilespmem:v8+s2+$0x0], $0xffff  }
0x2b: {  	_ =	sdelay $0x3  }
0x2c: {  	v7 =	vld.idx.msk [tilespmem:v7+s2+$0x0], $0xffff;
	s17 =	sshrl.u32 s15, $0x3  }
0x2d: {  	v6 =	vld.idx.msk [tilespmem:v6+s2+$0x0], $0xffff;
	s17 =	smul.u32 $0x30000, s17  }
0x2e: {  	[tilespmem:s16+$0xFFFFFFE0] =	vst v4;
	s18 =	sshll.u32 s15, $0x7  }
0x2f: {  	[tilespmem:s16+$0xFFFFFFF0] =	vst v5;
	s29 =	sadd.s32 $0x30, s16;
	s18 =	sand.u32 $0x380, s18;
	s17 =	sadd.s32 s7, s17  }
0x30: {  	s17 =	sor.u32 s18, s17;
	[tilespmem:s29+$0x0] =	vst v3  }
0x31: {  	p0 =	sne.s32 s15, s9;
	[tilespmem:s29+$0xFFFFFFE0] =	vst v7;
	s17 =	sshrl.u32 s17, $0x3  }
.Ltmp1:
0x32: {  	[tilespmem:s29+$0xFFFFFFF0] =	vst v6;
	s30 =	sadd.s32 s4, s17;
	(pc) =	sbr.rel @p0 .LBB2_2-.Ltmp1, $4  }
0x33: {  	[hbm4b:s30+s12] =	stream.strided.scatter [tilespmem:s13], [sflag:$0x1], $0x600, s10, s12, $0x38;
	[tilespmem:$0xC00] =	vst v63  }
0x34: {  	_ =	swait.ge [sflag:s11], $0x600  }
0x35: {  	s31 =	sadd.s32 $0x1, s15;
	[sflag:s11] =	ssyncset.done $0x0  }
0x36: {  	s15 =	smov.u32 s31;
	[sflag:s11] =	ssyncadd.s32 $0xFFFFFA00  }
0x37: {  	s14 =	sadd.s32 $0x1, s14  }
0x38: {  	p0 =	sne.s32 s14, s8  }
.Ltmp2:
0x39: {  	_ = 	snop;
	(pc) =	sbr.rel @p0 .LBB2_1-.Ltmp2, $1  }
0x3a: {  	_ =	sdelay $0x3  }
0x3b: {  	_ =	sfence.sel $0x180000  }
0x3c: {  	[bflag:$0x0] =	sbarrier.arrive $0xFFFF  }
0x3d: {  	p0 =	sne.s32 s3, $0x0;
	_ =	strace $0x90000047  }
0x3e: {  	s0 =	sadd.s32 @!p0 $0x100000, s1;
	[bflag:$0x2] =	sbarrier.arrive $0xFFFF  }
0x3f: {  	[sflag:s0] =	ssyncadd.tile.s32 @!p0 $0x1;
	_ =	shalt  }
.Lfunc_end2:
_tile_overlayer_lowered:
.L_overlay_start_2:
0x40: {  	(tag) =	ssettag $0x2  }
0x41: {  	s0 =	rddreg [dreg:$0x0];
	s2 =	stileid.u32  }
0x42: {  	s1 =	rddreg [dreg:$0x1];
	p0 =	sne.s32 s2, $0x0  }
0x43: {  	s3 =	rddreg [dreg:$0x2];
	[bflag:$0x3] =	sbarrier.arrive $0xFFFF;
	s2 =	simm.s32 @!p0 $0x1C01  }
0x44: {  	[timem:s3], [sflag:s2] =	dma.local @!p0 [hbm:s0], s1  }
0x45: {  	s0 =	simm.s32 @!p0 $0x1  }
0x46: {  	_ =	swait.ge @!p0 [sflag:s0], s1  }
0x47: {  	s1 =	ssub.s32 @!p0 $0x0, s1;
	[sflag:s0] =	ssyncset.done @!p0 $0x0  }
0x48: {  	[sflag:s0] =	ssyncadd.s32 @!p0 s1  }
0x49: {  	[bflag:$0x3] =	sbarrier.arrive $0xFFFF  }
0x4a: {  	_ =	shalt  }

// kernel: sparse-core-data-format-call.cloned.1.call-start
scs
called_computation_lowered:
.L_overlay_start_0:
0x0: {  	s2 =	sld [smem:$0x3FD9]  }
0x1: {  	s3 =	sld [smem:$0x3FFE];
	_ =	sdelay $0x1  }
0x2: {  	s1 =	srdreg.scid  }
0x3: {  	s0 =	sand.u32 $0x1, s1  }
0x4: {  	s18 =	sshll.u32 s0, $0xA;
	s2 =	sadd.s32 s3, s2  }
0x5: {  	s2 =	sadd.s32 s2, s18  }
0x6: {  	[smem:$0x3FC5] =	sst s2  }
0x7: {  	_ = 	snop  }
0x8: {  	s2 =	sld [smem:$0x3FD0];
	(tm) =	ssettm $0x1  }
0x9: {  	s19 =	sld [smem:$0x3FFB];
	_ =	sdelay $0x3  }
0xa: {  	_ =	strace s19  }
0xb: {  	s3 =	sld [smem:$0x3FFC];
	_ =	sdelay $0x3  }
0xc: {  	_ =	strace s3  }
0xd: {  	s3 =	sld [smem:$0x3FFD];
	_ =	sdelay $0x3  }
0xe: {  	_ =	strace s3  }
0xf: {  	_ =	strace $0x8FFFFFFF  }
0x10: {  	s20 =	sld [smem:$0x3FDB];
	_ =	sdelay $0x1  }
0x11: {  	s4 =	simm.s32 $_scs_section_size  }
0x12: {  	s5 =	simm.s32 $_size__tile_overlayer_lowered;
	s6 =	simm.s32 $_tile_overlayer_lowered  }
0x13: {  	s23 =	simm.s32 $0x1BFF;
	s22 =	sshll.u32 s6, $0x1;
	s3 =	sadd.s32 s4, s20  }
0x14: {  	s7 =	simm.s32 $0x0;
	s21 =	sshll.u32 s5, $0x1;
	s5 =	sadd.s32 s22, s3  }
0x15: {  	[timem:s7], [sflag:s23] =	dma.local [hbm:s5], s21  }
0x16: {  	_ =	swait.ge [sflag:s23], s21  }
0x17: {  	s4 =	ssub.s32 $0x0, s21;
	[sflag:s23] =	ssyncset.done $0x0  }
0x18: {  	[sflag:s23] =	ssyncadd.s32 s4;
	_ =	sdelay $0x1  }
0x19: {  	s24 =	simm.s32 $0x1B8B  }
0x1a: {  	_ =	swait.ge [sflag:s24], $0x1  }
0x1b: {  	[sflag:s24] =	ssyncset.done $0x0  }
0x1c: {  	s26 =	simm.s32 $0x1B8E;
	s25 =	sld [smem:$0x3FFE];
	[sflag:s24] =	ssyncadd.s32 $0xFFFFFFFF  }
0x1d: {  	s27 =	simm.s32 $execute0_lowered;
	[smem:$0x3FD2] =	sst s26  }
0x1e: {  	s5 =	sshll.u32 s27, $0x1;
	_ =	strace $0x80000049;
	[dreg:$0x1] =	wrdreg $0xFFFFFFFF  }
0x1f: {  	s28 =	simm.s32 $_size_execute0_lowered;
	s3 =	sadd.s32 s3, s5;
	[dreg:$0x0] =	wrdreg $0x0  }
0x20: {  	s5 =	sshll.u32 s28, $0x1;
	[dreg:$0x2] =	wrdreg s3  }
0x21: {  	[dreg:$0x3] =	wrdreg s5  }
0x22: {  	[dreg:$0x4] =	wrdreg $0xC0  }
0x23: {  	_ =	task [dreg:s7], $0x5FFFF  }
0x24: {  	[dreg:$0x1] =	wrdreg $0xFFFFFFFF  }
0x25: {  	[dreg:$0x0] =	wrdreg $0x60  }
0x26: {  	[dreg:$0x2] =	wrdreg s25  }
0x27: {  	[dreg:$0x3] =	wrdreg s2  }
0x28: {  	[dreg:$0x4] =	wrdreg $0x9  }
0x29: {  	_ =	task.clear_ibuf [dreg:s7], $0x5FFFF;
	_ =	strace $0x90000049  }
0x2a: {  	s29 =	simm.s32 $0x9;
	_ =	strace $0x8000004B  }
0x2b: {  	_ =	swait.ge [sflag:s29], $0x1  }
0x2c: {  	[sflag:s29] =	ssyncadd.s32 $0xFFFFFFFF  }
0x2d: {  	_ =	strace $0x9000004B  }
0x2e: {  	_ =	sfence  }
0x2f: {  	s30 =	sld [smem:$0x0];
	_ =	sdelay $0x2  }
0x30: {  	s31 =	sshll.u32 s1, $0xD;
	s1 =	sshrl.u32 s1, $0x2  }
0x31: {  	s3 =	sand.u32 $0x4000, s31;
	s1 =	sadd.s32 s1, s30  }
0x32: {  	s0 =	sor.u32 s3, s0;
	s1 =	sshll.u32 s1, $0x11  }
0x33: {  	s0 =	sor.u32 s1, s0  }
0x34: {  	s0 =	sadd.s32 $0x8F2B, s0  }
0x35: {  	[sflag:s0] =	ssyncadd.remote.s32 $0x1  }
0x36: {  	_ =	sfence.sel $0xFFFF  }
0x37: {  	[dreg:$0x0] =	wrdreg $0xFFFFFFFF;
	(pc) =	sbr.abs _section_cstart, $3  }
0x38: {  	[dreg:$0x1] =	wrdreg $0xFFFFFFFF  }
0x39: {  	_ =	task.clear_ibuf [dreg:s7], $0x2FFFF;
	_ =	strace $0x9FFFFFFF  }
0x3a: {  	(tm) =	ssettm $0x7FFFFFFF  }
0x3b: {  	_ =	shalt  }
tec
execute0_lowered:
.L_overlay_start_1:
0x0: {  	(tag) =	ssettag $0x1  }
0x1: {  	s0 =	stileid.u32  }
0x2: {  	s2 =	srdreg.scid;
	s1 =	sshll.u32 s0, $0x7  }
0x3: {  	s7 =	rddreg [dreg:$0x0];
	s8 =	simm.s32 $0x2;
	s3 =	ssub.s32 $0x800, s1  }
0x4: {  	s14 =	simm.s32 $0x0;
	s2 =	sand.u32 $0x1, s2;
	s4 =	sand.u32 $0x780, s3  }
0x5: {  	s5 =	ssub.s32 $0x20, s2;
	p0 =	sne.s32 s4, $0x0;
	s4 =	simm.s32 $0x1  }
0x6: {  	s3 =	sshrl.u32 s3, $0xB;
	s6 =	sshrl.u32 s5, $0x1;
	s4 =	simm.s32 @!p0 $0x0  }
0x7: {  	s9 =	simm.s32 $0x4000;
	s5 =	ssub.s32 s5, s6;
	s3 =	sadd.s32 s4, s3  }
0x8: {  	s16 =	simm.s32 $0x0;
	s15 =	simm.s32 $0x0;
	s6 =	smul.u32 s3, s5  }
.Ltmp0:
0x9: {  	s11 =	simm.s32 $0x0;
	s4 =	rddreg [dreg:$0x1];
	(pc) =	sbr.rel .LBB1_1-.Ltmp0, $4  }
0xa: {  	s13 =	simm.s32 $0x0;
	s7 =	sadd.s32 $0xE00, s7;
	s3 =	rddreg [dreg:$0x2]  }
0xb: {  	_ =	strace $0x8000004A;
	s5 =	simm.s32 $0x1;
	s6 =	smul.u32 $0xC, s6  }
0xc: {  	s10 =	smov.u32 s2;
	s12 =	smov.u32 s1;
	[sflag:s5] =	ssyncpa.u1 $0x0  }
0xd: {  	p0 =	por $0x0, $0x0;
	[sflag:s8] =	ssyncpa.u1 $0x0;
	s8 =	sor.u32 $0x1, s6  }
.LBB1_4:
0xe: {  	s19 =	sshll.u32 s15, $0x3  }
0xf: {  	s20 =	sand.u32 $0x78, s15;
	s21 =	sand.u32 $0x3F00, s15;
	s14 =	smul.u32 $0x30000, s14  }
0x10: {  	s16 =	sshll.u32 s16, $0xE;
	s19 =	sand.u32 $0x400, s19;
	s21 =	sadd.s32 s4, s21  }
0x11: {  	[tilespmem:s18+$0x810 ss:$0x81] =	vst.msk $0xffff, v2;
	s31 =	sand.u32 $0x7, s15;
	s19 =	sor.u32 s20, s19;
	s16 =	sadd.s32 s16, s21  }
0x12: {  	[tilespmem:s18+$0x1020 ss:$0x81] =	vst.msk $0xffff, v0;
	s15 =	sshll.u32 s31, $0x12;
	s19 =	sshrl.u32 s19, $0x3;
	s14 =	sadd.s32 s14, s16  }
0x13: {  	[tilespmem:s18+$0x0 ss:$0x81] =	vst.msk $0xffff, v1;
	s15 =	sor.u32 $0x400, s15;
	s14 =	sadd.s32 s19, s14  }
0x14: {  	[hbm4b:s14+s15] =	stream.strided.scatter [tilespmem:s17], [sflag:$0x2], $0x2000, s9, s15, $0x20;
	[tilespmem:$0x8080] =	vst v63  }
.LBB1_5:
0x15: {  	s17 =	sadd.s32 $0x2, s10  }
0x16: {  	s14 =	simm.s32 $0x1;
	p2 =	sgt.s32 s17, $0x1F  }
0x17: {  	s14 =	simm.s32 @!p2 $0x0  }
0x18: {  	s18 =	sadd.s32 s14, s11  }
0x19: {  	s20 =	smov.u32 s12;
	s14 =	sadd.s32 $0x800, s12;
	p3 =	sgt.s32 s18, $0xB  }
0x1a: {  	s20 =	smov.u32 @p3 s14  }
0x1b: {  	p1 =	slt.u32 s13, $0x2;
	s17 =	smov.u32 @p2 s2;
	p2 =	sgt.s32 s20, $0x7FF  }
0x1c: {  	s19 =	simm.s32 @!p1 $0x2;
	s20 =	smov.u32 @p2 s1;
	p2 =	sne.s32 s13, s8  }
.Ltmp1:
0x1d: {  	_ =	swait.ge @!p1 [sflag:s19], $0x2000;
	(pc) =	sbr.rel @!p2 .LBB1_6-.Ltmp1, $4  }
0x1e: {  	s16 =	smov.u32 s11;
	[sflag:s19] =	ssyncset.done @!p1 $0x0  }
0x1f: {  	s15 =	smov.u32 s12;
	p0 =	por !p0, !p0;
	[sflag:s19] =	ssyncadd.s32 @!p1 $0xFFFFE000  }
0x20: {  	s18 =	simm.s32 @p3 $0x0;
	s14 =	smov.u32 s10;
	s10 =	smov.u32 s17  }
0x21: {  	s11 =	smov.u32 s18;
	s13 =	sadd.s32 $0x1, s13;
	s12 =	smov.u32 s20  }
.LBB1_1:
0x22: {  	p1 =	sge.u32 s13, s6  }
0x23: {  	s18 =	smul.u32 @!p1 $0x1800, s12  }
0x24: {  	s31 =	sadd.s32 $0xFFFFFFFF, s13;
	s17 =	sxor.u32 @!p1 $0xFFFFFFFF, s13;
	s19 =	sshll.u32 @!p1 s11, $0x9  }
0x25: {  	s20 =	sshll.u32 @!p1 s10, $0x4;
	s17 =	sshll.u32 @!p1 s17, $0xD;
	s18 =	sadd.s32 @!p1 s7, s18  }
0x26: {  	s20 =	sand.u32 @!p1 $0x1F0, s20;
	s17 =	sand.u32 @!p1 $0x2000, s17;
	s18 =	sadd.s32 @!p1 s19, s18  }
0x27: {  	s19 =	simm.s32 @!p1 $0x40;
	s18 =	sadd.s32 @!p1 s20, s18;
	s20 =	simm.s32 @!p1 $0xC000  }
0x28: {  	[tilespmem:s17], [sflag:$0x1] =	stream.strided.gather @!p1 [hbm4b:s18+s19], $0x2000, s20, s19, $0x38;
	[tilespmem:$0x8080] =	vst v63  }
0x29: {  	p1 =	sge.u32 s31, s6  }
.Ltmp2:
0x2a: {  	_ = 	snop;
	(pc) =	sbr.rel @p1 .LBB1_5-.Ltmp2, $1  }
0x2b: {  	_ =	sdelay $0x3  }
0x2c: {  	s17 =	simm.s32 $0x1  }
0x2d: {  	_ =	swait.ge [sflag:s5], $0x2000;
	s17 =	simm.s32 @!p0 $0x0  }
0x2e: {  	[sflag:s5] =	ssyncset.done $0x0;
	s18 =	sshll.u32 s17, $0xD  }
0x2f: {  	[sflag:s5] =	ssyncadd.s32 $0xFFFFE000;
	s21 =	sor.u32 $0x20, s18  }
0x30: {  	s17 =	smul.u32 $0x8100, s17;
	v3 =	vld [tilespmem:s21+$0x10]  }
0x31: {  	s30 =	sand.u32 $0x1, s13;
	v2 =	vld [tilespmem:s21+$0xFFFFFFF0]  }
0x32: {  	s18 =	smul.u32 $0x8100, s30;
	s17 =	sshrl.u32 s17, $0x2;
	v0 =	vld [tilespmem:s21+$0x0]  }
0x33: {  	v1 =	vld [tilespmem:s21+$0xFFFFFFE0];
	s19 =	sor.u32 $0x4000, s17  }
0x34: {  	s31 =	sshrl.u32 s18, $0x2;
	s18 =	sadd.s32 $0x0, s19  }
0x35: {  	s20 =	simm.s32 $0x4;
	s21 =	sadd.s32 $0x40, s21;
	s17 =	sor.u32 $0x4000, s31;
	[tilespmem:s18+$0x1830 ss:$0x81] =	vst.msk $0xffff, v3  }
.LBB1_3:
0x36: {  	v3 =	vld [tilespmem:s21+$0x10];
	p1 =	sne.s32 s20, $0x1FC;
	[tilespmem:s18+$0x810 ss:$0x81] =	vst.msk $0xffff, v2;
	s22 =	smov.u32 s20;
	s20 =	sadd.s32 $0x4, s20  }
.Ltmp3:
0x37: {  	v2 =	vld [tilespmem:s21+$0xFFFFFFF0];
	[tilespmem:s18+$0x1020 ss:$0x81] =	vst.msk $0xffff, v0;
	(pc) =	sbr.rel @p1 .LBB1_3-.Ltmp3, $4  }
0x38: {  	v0 =	vld [tilespmem:s21+$0x0];
	[tilespmem:s18+$0x0 ss:$0x81] =	vst.msk $0xffff, v1  }
0x39: {  	s18 =	sshra.s32 s22, $0x2;
	v1 =	vld [tilespmem:s21+$0xFFFFFFE0]  }
0x3a: {  	s18 =	sadd.s32 s18, s19  }
0x3b: {  	s21 =	sadd.s32 $0x40, s21;
	[tilespmem:s18+$0x1830 ss:$0x81] =	vst.msk $0xffff, v3  }
.Ltmp4:
0x3c: {  	_ = 	snop;
	(pc) =	sbr.rel .LBB1_4-.Ltmp4, $1  }
0x3d: {  	_ =	sdelay $0x3  }
.LBB1_6:
0x3e: {  	_ =	sfence.sel $0x180000  }
0x3f: {  	s1 =	simm.s32 $0x1;
	[bflag:$0x0] =	sbarrier.arrive $0xFFFF  }
0x40: {  	s31 =	simm.s32 $0x2;
	[sflag:s1] =	ssyncpa.u1 $0x1  }
0x41: {  	[sflag:s31] =	ssyncpa.u1 $0x1  }
0x42: {  	p0 =	sne.s32 s0, $0x0;
	_ =	strace $0x9000004A  }
0x43: {  	s0 =	sadd.s32 @!p0 $0x100000, s3;
	[bflag:$0x2] =	sbarrier.arrive $0xFFFF  }
0x44: {  	[sflag:s0] =	ssyncadd.tile.s32 @!p0 $0x1;
	_ =	shalt  }
.Lfunc_end1:
_tile_overlayer_lowered:
.L_overlay_start_2:
0x45: {  	(tag) =	ssettag $0x2  }
0x46: {  	s0 =	rddreg [dreg:$0x0];
	s2 =	stileid.u32  }
0x47: {  	s1 =	rddreg [dreg:$0x1];
	p0 =	sne.s32 s2, $0x0  }
0x48: {  	s3 =	rddreg [dreg:$0x2];
	[bflag:$0x3] =	sbarrier.arrive $0xFFFF;
	s2 =	simm.s32 @!p0 $0x1C01  }
0x49: {  	[timem:s3], [sflag:s2] =	dma.local @!p0 [hbm:s0], s1  }
0x4a: {  	s0 =	simm.s32 @!p0 $0x1  }
0x4b: {  	_ =	swait.ge @!p0 [sflag:s0], s1  }
0x4c: {  	s1 =	ssub.s32 @!p0 $0x0, s1;
	[sflag:s0] =	ssyncset.done @!p0 $0x0  }
0x4d: {  	[sflag:s0] =	ssyncadd.s32 @!p0 s1  }
0x4e: {  	[bflag:$0x3] =	sbarrier.arrive $0xFFFF  }
0x4f: {  	_ =	shalt  }

</sc_bundles>
